<compile_context>
chip_gen: v7x
topology: tpu7x:2x2x1
jax: 0.10.2.dev20260603
libtpu: 0.0.44.dev20260713+nightly
codegen_flags: <defaults>
</compile_context>

<pallas_src>
import functools

import jax
import jax.numpy as jnp
from jax import lax
from jax.experimental import pallas as pl
from jax.experimental.pallas import tpu as pltpu
from jax.experimental.pallas import tpu_sc as plsc

_NC = 2
_NS = 16
_NW = _NC * _NS
_L = 16


def _fea2_sparsecore(r, edge_index):
    n_nodes = r.shape[0]
    e = edge_index.shape[1]
    chunk = 4096
    n_full = e // chunk
    rem = e - n_full * chunk
    assert rem % 128 == 0 and chunk % _L == 0

    mesh = plsc.VectorSubcoreMesh(
        core_axis_name="c", subcore_axis_name="s",
        num_cores=_NC, num_subcores=_NS)

    @functools.partial(
        pl.kernel,
        mesh=mesh,
        out_type=jax.ShapeDtypeStruct((2, e), jnp.float32),
        compiler_params=pltpu.CompilerParams(needs_layout_passes=False),
        scratch_types=[
            pltpu.VMEM((n_nodes,), jnp.float32),
            pltpu.VMEM((2, chunk), jnp.int32),
            pltpu.VMEM((2, chunk), jnp.float32),
        ],
    )
    def k(r_hbm, ei_hbm, out_hbm, r_v, idx_v, o_v):
        wid = lax.axis_index("s") * _NC + lax.axis_index("c")
        pltpu.sync_copy(r_hbm, r_v)

        def run_chunk(base, n):
            pltpu.sync_copy(ei_hbm.at[:, pl.ds(base, n)], idx_v.at[:, pl.ds(0, n)])

            @plsc.parallel_loop(0, n, step=_L, unroll=8)
            def body(off):
                idx_r = idx_v[0, pl.ds(off, _L)]
                idx_c = idx_v[1, pl.ds(off, _L)]
                o_v[0, pl.ds(off, _L)] = plsc.load_gather(r_v, [idx_r])
                o_v[1, pl.ds(off, _L)] = plsc.load_gather(r_v, [idx_c])

            pltpu.sync_copy(o_v.at[:, pl.ds(0, n)], out_hbm.at[:, pl.ds(base, n)])

        n_mine = (n_full - wid + _NW - 1) // _NW

        def do_chunk(i, _):
            run_chunk((wid + i * _NW) * chunk, chunk)
            return 0

        lax.fori_loop(0, n_mine, do_chunk, 0)

        if rem:
            @pl.when(wid == 0)
            def _():
                run_chunk(n_full * chunk, rem)

    return k(r, edge_index)


def _cos_poly(v):
    two_over_pi = 0.6366197723675814
    magic = 12582912.0
    p1 = 1.5703125
    p2 = 4.837512969970703125e-4
    p3 = 7.54978995489188608e-8
    kf2 = v * two_over_pi + magic
    kf = kf2 - magic
    ki = lax.bitcast_convert_type(kf2, jnp.int32)
    y = ((v - kf * p1) - kf * p2) - kf * p3
    z = y * y
    cosp = 1.0 + z * (-0.5 + z * (4.166664568298827e-2
                                  + z * (-1.388731625493765e-3
                                         + z * 2.443315711809948e-5)))
    sinp = y + y * z * (-1.6666654611e-1
                        + z * (8.3321608736e-3 + z * (-1.9515295891e-4)))
    res = jnp.where((ki & 1) == 1, sinp, cosp)
    sign = ((ki + 1) << 30) & jnp.int32(-2147483648)
    return lax.bitcast_convert_type(
        lax.bitcast_convert_type(res, jnp.int32) ^ sign, jnp.float32)


def _fea1_tensorcore(ht):
    d, e = ht.shape
    block_cols = 64000
    assert e % block_cols == 0

    def body(x_ref, o_ref):
        v = x_ref[...]
        sub = lax.broadcasted_iota(jnp.int32, v.shape, 0)
        o_ref[...] = jnp.where(sub == 0, v, _cos_poly(v))

    return pl.pallas_call(
        body,
        grid=(e // block_cols,),
        in_specs=[pl.BlockSpec((d, block_cols), lambda i: (0, i))],
        out_specs=pl.BlockSpec((d, block_cols), lambda i: (0, i)),
        out_shape=jax.ShapeDtypeStruct((d, e), jnp.float32),
    )(ht)


def kernel(r, h, edge_index):
    fea2 = _fea2_sparsecore(r, edge_index.astype(jnp.int32)).T
    fea1 = _fea1_tensorcore(h.T).T
    return (fea1, fea2)

# --- scband reference (transcript-rebuilt; emitter-appended) ---
"""Pipeline reference for scband-emb-hull-6975026889065 (READ-ONLY COPY).

The authoritative reference and input builder live on the scoring server;
editing this copy changes nothing except your own understanding.
"""

import jax, jax.numpy as jnp
import numpy as np

N_NODES = 100000
N_EDGES = 6400000
D_EDGE = 4

def setup_inputs(seed: int = 0) -> dict:
    key = jax.random.key(seed)
    k1, k2, k3 = jax.random.split(key, 3)
    r = jax.random.normal(k1, (N_NODES,), dtype=jnp.float32)
    h = jax.random.normal(k2, (N_EDGES, D_EDGE), dtype=jnp.float32)
    edge_index = jax.random.randint(k3, (2, N_EDGES), 0, N_NODES, dtype=jnp.int64 if jax.config.jax_enable_x64 else jnp.int32)
    return {"r": r, "h": h, "edge_index": edge_index}

def reference(r, h, edge_index):
    # hull_cos=True branch
    row = edge_index[0]
    col = edge_index[1]
    # fea2 = cat([r[row].unsqueeze(1), r[col].unsqueeze(1)], dim=1)
    fea2 = jnp.concatenate([r[row][:, None], r[col][:, None]], axis=1)
    # in-place h[:, 1:] = cos(h[:, 1:]) -> functional update
    h = h.at[:, 1:].set(jnp.cos(h[:, 1:]))
    fea1 = h
    return (fea1, fea2)

if __name__ == "__main__":
    import jax
    _d = setup_inputs()
    print(jax.jit(kernel)(*tuple(_d.values())))

</pallas_src>

<mosaic_0001>
#map = affine_map<(d0, d1) -> (0)>
#map1 = affine_map<(d0, d1) -> (0, 0)>
module attributes {stable_mosaic.version = 14 : i64} {
  func.func @k(%arg0: i32, %arg1: i32, %arg2: memref<100000xf32, #tpu.memory_space<hbm>>, %arg3: memref<2x6400000xi32, #tpu.memory_space<hbm>>, %arg4: memref<2x6400000xf32, #tpu.memory_space<hbm>>, %arg5: memref<100000xf32, #tpu.memory_space<vmem>>, %arg6: memref<2x4096xi32, #tpu.memory_space<vmem>>, %arg7: memref<2x4096xf32, #tpu.memory_space<vmem>>) attributes {dimension_semantics = [#tpu.dimension_semantics<core_parallel>, #tpu.dimension_semantics<subcore_parallel>], iteration_bounds = array<i64: 2, 16>, scalar_prefetch = 0 : i64, scratch_operands = 3 : i64, tpu.core_type = #tpu.core_type<sc_vector_subcore>, window_params = [{transform_indices = #map}, {transform_indices = #map1}, {transform_indices = #map1}]} {
    %mul3A = arith.constant 2 : i32
    %mul3A_0 = arith.muli %arg1, %mul3A : i32
    %add3A = arith.addi %mul3A_0, %arg0 : i32
    "tpu.region"() ({
      %run_scoped3A = tpu.sem_alloc : memref<!tpu.dma_semaphore, #tpu.memory_space<semaphore_mem>>
      tpu.enqueue_dma source(%arg2 : memref<100000xf32, #tpu.memory_space<hbm>>) target(%arg5 : memref<100000xf32, #tpu.memory_space<vmem>>) target_semaphore(%run_scoped3A : memref<!tpu.dma_semaphore, #tpu.memory_space<semaphore_mem>>)
      tpu.wait_dma2 semaphore(%run_scoped3A : memref<!tpu.dma_semaphore, #tpu.memory_space<semaphore_mem>>) src(%arg2 : memref<100000xf32, #tpu.memory_space<hbm>>) dst(%arg5 : memref<100000xf32, #tpu.memory_space<vmem>>)
      tpu.yield
    }) : () -> ()
    %sub3A = arith.constant 1562 : i32
    %sub3A_1 = arith.subi %sub3A, %add3A : i32
    %add3A_2 = arith.constant 32 : i32
    %add3A_3 = arith.addi %sub3A_1, %add3A_2 : i32
    %sub3A_4 = arith.constant 1 : i32
    %sub3A_5 = arith.subi %add3A_3, %sub3A_4 : i32
    %jit3A = arith.constant 32 : i32
    %div3A = arith.divsi %sub3A_5, %jit3A : i32
    %sign3A = arith.constant 0 : i32
    %sign3A_6 = arith.cmpi sgt, %sub3A_5, %sign3A : i32
    %sign3A_7 = arith.extui %sign3A_6 : i1 to i32
    %sign3A_8 = arith.constant 0 : i32
    %sign3A_9 = arith.cmpi slt, %sub3A_5, %sign3A_8 : i32
    %sign3A_10 = arith.extui %sign3A_9 : i1 to i32
    %sign3A_11 = arith.subi %sign3A_7, %sign3A_10 : i32
    %sign3A_12 = arith.constant 0 : i32
    %sign3A_13 = arith.cmpi sgt, %jit3A, %sign3A_12 : i32
    %sign3A_14 = arith.extui %sign3A_13 : i1 to i32
    %sign3A_15 = arith.constant 0 : i32
    %sign3A_16 = arith.cmpi slt, %jit3A, %sign3A_15 : i32
    %sign3A_17 = arith.extui %sign3A_16 : i1 to i32
    %sign3A_18 = arith.subi %sign3A_14, %sign3A_17 : i32
    %ne3A = arith.cmpi ne, %sign3A_11, %sign3A_18 : i32
    %rem3A = arith.remsi %sub3A_5, %jit3A : i32
    %ne3A_19 = arith.constant 0 : i32
    %ne3A_20 = arith.cmpi ne, %rem3A, %ne3A_19 : i32
    %and3A = arith.andi %ne3A, %ne3A_20 : i1
    %sub3A_21 = arith.constant 1 : i32
    %sub3A_22 = arith.subi %div3A, %sub3A_21 : i32
    %select_n3A = arith.select %and3A, %sub3A_22, %div3A : i32
    %while3A = arith.constant 0 : i32
    %while3A_23 = arith.constant 0 : i32
    %while3A_24 = arith.subi %select_n3A, %while3A : i32
    %while3A_25 = arith.addi %while3A, %while3A_24 : i32
    %while3A_26 = arith.constant 1 : i32
    %while3A_27 = arith.divsi %while3A_24, %while3A_26 : i32
    %while3A_28 = arith.muli %while3A_27, %while3A_26 : i32
    %while3A_29 = arith.addi %while3A, %while3A_28 : i32
    %while3A_30 = arith.constant 1 : i32
    %while3A_31 = scf.for %while3A_36 = %while3A to %while3A_29 step %while3A_30 iter_args(%while3A_37 = %while3A_23) -> (i32)  : i32 {
      %mul3A_38 = arith.constant 32 : i32
      %mul3A_39 = arith.muli %while3A_36, %mul3A_38 : i32
      %add3A_40 = arith.addi %add3A, %mul3A_39 : i32
      %mul3A_41 = arith.constant 4096 : i32
      %mul3A_42 = arith.muli %add3A_40, %mul3A_41 : i32
      "tpu.region"() ({
        %run_scoped3A = tpu.sem_alloc : memref<!tpu.dma_semaphore, #tpu.memory_space<semaphore_mem>>
        %dma_start3A = arith.constant 0 : i32
        %dma_start3A_46 = arith.constant 0 : i32
        %dma_start3A_47 = tpu.memref_slice %arg6[%dma_start3A, %dma_start3A_46] : memref<2x4096xi32, #tpu.memory_space<vmem>> -> memref<2x4096xi32, #tpu.memory_space<vmem>>
        %dma_start3A_48 = arith.constant 0 : i32
        %dma_start3A_49 = tpu.memref_slice %arg3[%dma_start3A_48, %mul3A_42] : memref<2x6400000xi32, #tpu.memory_space<hbm>> -> memref<2x4096xi32, #tpu.memory_space<hbm>>
        %dma_start3A_50 = arith.constant 0 : i32
        %dma_start3A_51 = arith.constant 0 : i32
        %dma_start3A_52 = tpu.memref_slice %arg6[%dma_start3A_50, %dma_start3A_51] : memref<2x4096xi32, #tpu.memory_space<vmem>> -> memref<2x4096xi32, #tpu.memory_space<vmem>>
        %dma_start3A_53 = arith.constant 0 : i32
        %dma_start3A_54 = tpu.memref_slice %arg3[%dma_start3A_53, %mul3A_42] : memref<2x6400000xi32, #tpu.memory_space<hbm>> -> memref<2x4096xi32, #tpu.memory_space<hbm>>
        tpu.enqueue_dma source(%dma_start3A_54 : memref<2x4096xi32, #tpu.memory_space<hbm>>) target(%dma_start3A_52 : memref<2x4096xi32, #tpu.memory_space<vmem>>) target_semaphore(%run_scoped3A : memref<!tpu.dma_semaphore, #tpu.memory_space<semaphore_mem>>)
        %dma_wait3A = arith.constant 0 : i32
        %dma_wait3A_55 = arith.constant 0 : i32
        %dma_wait3A_56 = tpu.memref_slice %arg6[%dma_wait3A, %dma_wait3A_55] : memref<2x4096xi32, #tpu.memory_space<vmem>> -> memref<2x4096xi32, #tpu.memory_space<vmem>>
        %dma_wait3A_57 = arith.constant 0 : i32
        %dma_wait3A_58 = tpu.memref_slice %arg3[%dma_wait3A_57, %mul3A_42] : memref<2x6400000xi32, #tpu.memory_space<hbm>> -> memref<2x4096xi32, #tpu.memory_space<hbm>>
        %dma_wait3A_59 = arith.constant 0 : i32
        %dma_wait3A_60 = arith.constant 0 : i32
        %dma_wait3A_61 = tpu.memref_slice %arg6[%dma_wait3A_59, %dma_wait3A_60] : memref<2x4096xi32, #tpu.memory_space<vmem>> -> memref<2x4096xi32, #tpu.memory_space<vmem>>
        %dma_wait3A_62 = arith.constant 0 : i32
        %dma_wait3A_63 = tpu.memref_slice %arg3[%dma_wait3A_62, %mul3A_42] : memref<2x6400000xi32, #tpu.memory_space<hbm>> -> memref<2x4096xi32, #tpu.memory_space<hbm>>
        tpu.wait_dma2 semaphore(%run_scoped3A : memref<!tpu.dma_semaphore, #tpu.memory_space<semaphore_mem>>) src(%dma_wait3A_63 : memref<2x4096xi32, #tpu.memory_space<hbm>>) dst(%dma_wait3A_61 : memref<2x4096xi32, #tpu.memory_space<vmem>>)
        tpu.yield
      }) : () -> ()
      %parallel_loop3A = arith.constant 0 : i32
      %parallel_loop3A_43 = arith.constant 4096 : i32
      %parallel_loop3A_44 = arith.constant 16 : i32
      scf.for %parallel_loop3A_46 = %parallel_loop3A to %parallel_loop3A_43 step %parallel_loop3A_44  : i32 {
        %parallel_loop3A_47 = arith.constant 0 : i32
        %parallel_loop3A_48 = arith.index_cast %parallel_loop3A_47 : i32 to index
        %parallel_loop3A_49 = arith.index_cast %parallel_loop3A_46 : i32 to index
        %parallel_loop3A_50 = tpu.vector_load %arg6[%parallel_loop3A_48, %parallel_loop3A_49] {strides = array<i32>} : memref<2x4096xi32, #tpu.memory_space<vmem>>, vector<16xi32>,
        %parallel_loop3A_51 = arith.constant 1 : i32
        %parallel_loop3A_52 = arith.index_cast %parallel_loop3A_51 : i32 to index
        %parallel_loop3A_53 = arith.index_cast %parallel_loop3A_46 : i32 to index
        %parallel_loop3A_54 = tpu.vector_load %arg6[%parallel_loop3A_52, %parallel_loop3A_53] {strides = array<i32>} : memref<2x4096xi32, #tpu.memory_space<vmem>>, vector<16xi32>,
        %parallel_loop3A_55 = tpu.vector_load_idx %arg5[%parallel_loop3A_50] : memref<100000xf32, #tpu.memory_space<vmem>>[vector<16xi32>], vector<16xf32>,
        %parallel_loop3A_56 = arith.constant 0 : i32
        %parallel_loop3A_57 = arith.index_cast %parallel_loop3A_56 : i32 to index
        %parallel_loop3A_58 = arith.index_cast %parallel_loop3A_46 : i32 to index
        %parallel_loop3A_59 = tpu.vector_load %arg7[%parallel_loop3A_57, %parallel_loop3A_58] {strides = array<i32>} : memref<2x4096xf32, #tpu.memory_space<vmem>>, vector<16xf32>,
        tpu.vector_store %arg7[%parallel_loop3A_57, %parallel_loop3A_58], %parallel_loop3A_55 {strides = array<i32>} : memref<2x4096xf32, #tpu.memory_space<vmem>>, vector<16xf32>,
        %parallel_loop3A_60 = tpu.vector_load_idx %arg5[%parallel_loop3A_54] : memref<100000xf32, #tpu.memory_space<vmem>>[vector<16xi32>], vector<16xf32>,
        %parallel_loop3A_61 = arith.constant 1 : i32
        %parallel_loop3A_62 = arith.index_cast %parallel_loop3A_61 : i32 to index
        %parallel_loop3A_63 = arith.index_cast %parallel_loop3A_46 : i32 to index
        %parallel_loop3A_64 = tpu.vector_load %arg7[%parallel_loop3A_62, %parallel_loop3A_63] {strides = array<i32>} : memref<2x4096xf32, #tpu.memory_space<vmem>>, vector<16xf32>,
        tpu.vector_store %arg7[%parallel_loop3A_62, %parallel_loop3A_63], %parallel_loop3A_60 {strides = array<i32>} : memref<2x4096xf32, #tpu.memory_space<vmem>>, vector<16xf32>,
      } {sc.loop_unroll_factor = 8 : i64, sc.parallel_access}
      "tpu.region"() ({
        %run_scoped3A = tpu.sem_alloc : memref<!tpu.dma_semaphore, #tpu.memory_space<semaphore_mem>>
        %dma_start3A = arith.constant 0 : i32
        %dma_start3A_46 = arith.constant 0 : i32
        %dma_start3A_47 = tpu.memref_slice %arg7[%dma_start3A, %dma_start3A_46] : memref<2x4096xf32, #tpu.memory_space<vmem>> -> memref<2x4096xf32, #tpu.memory_space<vmem>>
        %dma_start3A_48 = arith.constant 0 : i32
        %dma_start3A_49 = tpu.memref_slice %arg4[%dma_start3A_48, %mul3A_42] : memref<2x6400000xf32, #tpu.memory_space<hbm>> -> memref<2x4096xf32, #tpu.memory_space<hbm>>
        %dma_start3A_50 = arith.constant 0 : i32
        %dma_start3A_51 = tpu.memref_slice %arg4[%dma_start3A_50, %mul3A_42] : memref<2x6400000xf32, #tpu.memory_space<hbm>> -> memref<2x4096xf32, #tpu.memory_space<hbm>>
        %dma_start3A_52 = arith.constant 0 : i32
        %dma_start3A_53 = arith.constant 0 : i32
        %dma_start3A_54 = tpu.memref_slice %arg7[%dma_start3A_52, %dma_start3A_53] : memref<2x4096xf32, #tpu.memory_space<vmem>> -> memref<2x4096xf32, #tpu.memory_space<vmem>>
        tpu.enqueue_dma source(%dma_start3A_54 : memref<2x4096xf32, #tpu.memory_space<vmem>>) target(%dma_start3A_51 : memref<2x4096xf32, #tpu.memory_space<hbm>>) target_semaphore(%run_scoped3A : memref<!tpu.dma_semaphore, #tpu.memory_space<semaphore_mem>>)
        %dma_wait3A = arith.constant 0 : i32
        %dma_wait3A_55 = arith.constant 0 : i32
        %dma_wait3A_56 = tpu.memref_slice %arg7[%dma_wait3A, %dma_wait3A_55] : memref<2x4096xf32, #tpu.memory_space<vmem>> -> memref<2x4096xf32, #tpu.memory_space<vmem>>
        %dma_wait3A_57 = arith.constant 0 : i32
        %dma_wait3A_58 = tpu.memref_slice %arg4[%dma_wait3A_57, %mul3A_42] : memref<2x6400000xf32, #tpu.memory_space<hbm>> -> memref<2x4096xf32, #tpu.memory_space<hbm>>
        %dma_wait3A_59 = arith.constant 0 : i32
        %dma_wait3A_60 = tpu.memref_slice %arg4[%dma_wait3A_59, %mul3A_42] : memref<2x6400000xf32, #tpu.memory_space<hbm>> -> memref<2x4096xf32, #tpu.memory_space<hbm>>
        %dma_wait3A_61 = arith.constant 0 : i32
        %dma_wait3A_62 = arith.constant 0 : i32
        %dma_wait3A_63 = tpu.memref_slice %arg7[%dma_wait3A_61, %dma_wait3A_62] : memref<2x4096xf32, #tpu.memory_space<vmem>> -> memref<2x4096xf32, #tpu.memory_space<vmem>>
        tpu.wait_dma2 semaphore(%run_scoped3A : memref<!tpu.dma_semaphore, #tpu.memory_space<semaphore_mem>>) src(%dma_wait3A_63 : memref<2x4096xf32, #tpu.memory_space<vmem>>) dst(%dma_wait3A_60 : memref<2x4096xf32, #tpu.memory_space<hbm>>)
        tpu.yield
      }) : () -> ()
      %while3A_45 = arith.constant 0 : i32
      scf.yield %while3A_45 : i32
    }
    %while3A_32 = arith.constant 1 : i32
    %while3A_33 = scf.for %while3A_36 = %while3A_29 to %while3A_25 step %while3A_32 iter_args(%while3A_37 = %while3A_31) -> (i32)  : i32 {
      %mul3A_38 = arith.constant 32 : i32
      %mul3A_39 = arith.muli %while3A_36, %mul3A_38 : i32
      %add3A_40 = arith.addi %add3A, %mul3A_39 : i32
      %mul3A_41 = arith.constant 4096 : i32
      %mul3A_42 = arith.muli %add3A_40, %mul3A_41 : i32
      "tpu.region"() ({
        %run_scoped3A = tpu.sem_alloc : memref<!tpu.dma_semaphore, #tpu.memory_space<semaphore_mem>>
        %dma_start3A = arith.constant 0 : i32
        %dma_start3A_46 = arith.constant 0 : i32
        %dma_start3A_47 = tpu.memref_slice %arg6[%dma_start3A, %dma_start3A_46] : memref<2x4096xi32, #tpu.memory_space<vmem>> -> memref<2x4096xi32, #tpu.memory_space<vmem>>
        %dma_start3A_48 = arith.constant 0 : i32
        %dma_start3A_49 = tpu.memref_slice %arg3[%dma_start3A_48, %mul3A_42] : memref<2x6400000xi32, #tpu.memory_space<hbm>> -> memref<2x4096xi32, #tpu.memory_space<hbm>>
        %dma_start3A_50 = arith.constant 0 : i32
        %dma_start3A_51 = arith.constant 0 : i32
        %dma_start3A_52 = tpu.memref_slice %arg6[%dma_start3A_50, %dma_start3A_51] : memref<2x4096xi32, #tpu.memory_space<vmem>> -> memref<2x4096xi32, #tpu.memory_space<vmem>>
        %dma_start3A_53 = arith.constant 0 : i32
        %dma_start3A_54 = tpu.memref_slice %arg3[%dma_start3A_53, %mul3A_42] : memref<2x6400000xi32, #tpu.memory_space<hbm>> -> memref<2x4096xi32, #tpu.memory_space<hbm>>
        tpu.enqueue_dma source(%dma_start3A_54 : memref<2x4096xi32, #tpu.memory_space<hbm>>) target(%dma_start3A_52 : memref<2x4096xi32, #tpu.memory_space<vmem>>) target_semaphore(%run_scoped3A : memref<!tpu.dma_semaphore, #tpu.memory_space<semaphore_mem>>)
        %dma_wait3A = arith.constant 0 : i32
        %dma_wait3A_55 = arith.constant 0 : i32
        %dma_wait3A_56 = tpu.memref_slice %arg6[%dma_wait3A, %dma_wait3A_55] : memref<2x4096xi32, #tpu.memory_space<vmem>> -> memref<2x4096xi32, #tpu.memory_space<vmem>>
        %dma_wait3A_57 = arith.constant 0 : i32
        %dma_wait3A_58 = tpu.memref_slice %arg3[%dma_wait3A_57, %mul3A_42] : memref<2x6400000xi32, #tpu.memory_space<hbm>> -> memref<2x4096xi32, #tpu.memory_space<hbm>>
        %dma_wait3A_59 = arith.constant 0 : i32
        %dma_wait3A_60 = arith.constant 0 : i32
        %dma_wait3A_61 = tpu.memref_slice %arg6[%dma_wait3A_59, %dma_wait3A_60] : memref<2x4096xi32, #tpu.memory_space<vmem>> -> memref<2x4096xi32, #tpu.memory_space<vmem>>
        %dma_wait3A_62 = arith.constant 0 : i32
        %dma_wait3A_63 = tpu.memref_slice %arg3[%dma_wait3A_62, %mul3A_42] : memref<2x6400000xi32, #tpu.memory_space<hbm>> -> memref<2x4096xi32, #tpu.memory_space<hbm>>
        tpu.wait_dma2 semaphore(%run_scoped3A : memref<!tpu.dma_semaphore, #tpu.memory_space<semaphore_mem>>) src(%dma_wait3A_63 : memref<2x4096xi32, #tpu.memory_space<hbm>>) dst(%dma_wait3A_61 : memref<2x4096xi32, #tpu.memory_space<vmem>>)
        tpu.yield
      }) : () -> ()
      %parallel_loop3A = arith.constant 0 : i32
      %parallel_loop3A_43 = arith.constant 4096 : i32
      %parallel_loop3A_44 = arith.constant 16 : i32
      scf.for %parallel_loop3A_46 = %parallel_loop3A to %parallel_loop3A_43 step %parallel_loop3A_44  : i32 {
        %parallel_loop3A_47 = arith.constant 0 : i32
        %parallel_loop3A_48 = arith.index_cast %parallel_loop3A_47 : i32 to index
        %parallel_loop3A_49 = arith.index_cast %parallel_loop3A_46 : i32 to index
        %parallel_loop3A_50 = tpu.vector_load %arg6[%parallel_loop3A_48, %parallel_loop3A_49] {strides = array<i32>} : memref<2x4096xi32, #tpu.memory_space<vmem>>, vector<16xi32>,
        %parallel_loop3A_51 = arith.constant 1 : i32
        %parallel_loop3A_52 = arith.index_cast %parallel_loop3A_51 : i32 to index
        %parallel_loop3A_53 = arith.index_cast %parallel_loop3A_46 : i32 to index
        %parallel_loop3A_54 = tpu.vector_load %arg6[%parallel_loop3A_52, %parallel_loop3A_53] {strides = array<i32>} : memref<2x4096xi32, #tpu.memory_space<vmem>>, vector<16xi32>,
        %parallel_loop3A_55 = tpu.vector_load_idx %arg5[%parallel_loop3A_50] : memref<100000xf32, #tpu.memory_space<vmem>>[vector<16xi32>], vector<16xf32>,
        %parallel_loop3A_56 = arith.constant 0 : i32
        %parallel_loop3A_57 = arith.index_cast %parallel_loop3A_56 : i32 to index
        %parallel_loop3A_58 = arith.index_cast %parallel_loop3A_46 : i32 to index
        %parallel_loop3A_59 = tpu.vector_load %arg7[%parallel_loop3A_57, %parallel_loop3A_58] {strides = array<i32>} : memref<2x4096xf32, #tpu.memory_space<vmem>>, vector<16xf32>,
        tpu.vector_store %arg7[%parallel_loop3A_57, %parallel_loop3A_58], %parallel_loop3A_55 {strides = array<i32>} : memref<2x4096xf32, #tpu.memory_space<vmem>>, vector<16xf32>,
        %parallel_loop3A_60 = tpu.vector_load_idx %arg5[%parallel_loop3A_54] : memref<100000xf32, #tpu.memory_space<vmem>>[vector<16xi32>], vector<16xf32>,
        %parallel_loop3A_61 = arith.constant 1 : i32
        %parallel_loop3A_62 = arith.index_cast %parallel_loop3A_61 : i32 to index
        %parallel_loop3A_63 = arith.index_cast %parallel_loop3A_46 : i32 to index
        %parallel_loop3A_64 = tpu.vector_load %arg7[%parallel_loop3A_62, %parallel_loop3A_63] {strides = array<i32>} : memref<2x4096xf32, #tpu.memory_space<vmem>>, vector<16xf32>,
        tpu.vector_store %arg7[%parallel_loop3A_62, %parallel_loop3A_63], %parallel_loop3A_60 {strides = array<i32>} : memref<2x4096xf32, #tpu.memory_space<vmem>>, vector<16xf32>,
      } {sc.loop_unroll_factor = 8 : i64, sc.parallel_access}
      "tpu.region"() ({
        %run_scoped3A = tpu.sem_alloc : memref<!tpu.dma_semaphore, #tpu.memory_space<semaphore_mem>>
        %dma_start3A = arith.constant 0 : i32
        %dma_start3A_46 = arith.constant 0 : i32
        %dma_start3A_47 = tpu.memref_slice %arg7[%dma_start3A, %dma_start3A_46] : memref<2x4096xf32, #tpu.memory_space<vmem>> -> memref<2x4096xf32, #tpu.memory_space<vmem>>
        %dma_start3A_48 = arith.constant 0 : i32
        %dma_start3A_49 = tpu.memref_slice %arg4[%dma_start3A_48, %mul3A_42] : memref<2x6400000xf32, #tpu.memory_space<hbm>> -> memref<2x4096xf32, #tpu.memory_space<hbm>>
        %dma_start3A_50 = arith.constant 0 : i32
        %dma_start3A_51 = tpu.memref_slice %arg4[%dma_start3A_50, %mul3A_42] : memref<2x6400000xf32, #tpu.memory_space<hbm>> -> memref<2x4096xf32, #tpu.memory_space<hbm>>
        %dma_start3A_52 = arith.constant 0 : i32
        %dma_start3A_53 = arith.constant 0 : i32
        %dma_start3A_54 = tpu.memref_slice %arg7[%dma_start3A_52, %dma_start3A_53] : memref<2x4096xf32, #tpu.memory_space<vmem>> -> memref<2x4096xf32, #tpu.memory_space<vmem>>
        tpu.enqueue_dma source(%dma_start3A_54 : memref<2x4096xf32, #tpu.memory_space<vmem>>) target(%dma_start3A_51 : memref<2x4096xf32, #tpu.memory_space<hbm>>) target_semaphore(%run_scoped3A : memref<!tpu.dma_semaphore, #tpu.memory_space<semaphore_mem>>)
        %dma_wait3A = arith.constant 0 : i32
        %dma_wait3A_55 = arith.constant 0 : i32
        %dma_wait3A_56 = tpu.memref_slice %arg7[%dma_wait3A, %dma_wait3A_55] : memref<2x4096xf32, #tpu.memory_space<vmem>> -> memref<2x4096xf32, #tpu.memory_space<vmem>>
        %dma_wait3A_57 = arith.constant 0 : i32
        %dma_wait3A_58 = tpu.memref_slice %arg4[%dma_wait3A_57, %mul3A_42] : memref<2x6400000xf32, #tpu.memory_space<hbm>> -> memref<2x4096xf32, #tpu.memory_space<hbm>>
        %dma_wait3A_59 = arith.constant 0 : i32
        %dma_wait3A_60 = tpu.memref_slice %arg4[%dma_wait3A_59, %mul3A_42] : memref<2x6400000xf32, #tpu.memory_space<hbm>> -> memref<2x4096xf32, #tpu.memory_space<hbm>>
        %dma_wait3A_61 = arith.constant 0 : i32
        %dma_wait3A_62 = arith.constant 0 : i32
        %dma_wait3A_63 = tpu.memref_slice %arg7[%dma_wait3A_61, %dma_wait3A_62] : memref<2x4096xf32, #tpu.memory_space<vmem>> -> memref<2x4096xf32, #tpu.memory_space<vmem>>
        tpu.wait_dma2 semaphore(%run_scoped3A : memref<!tpu.dma_semaphore, #tpu.memory_space<semaphore_mem>>) src(%dma_wait3A_63 : memref<2x4096xf32, #tpu.memory_space<vmem>>) dst(%dma_wait3A_60 : memref<2x4096xf32, #tpu.memory_space<hbm>>)
        tpu.yield
      }) : () -> ()
      %while3A_45 = arith.constant 0 : i32
      scf.yield %while3A_45 : i32
    }
    %eq3A = arith.constant 0 : i32
    %eq3A_34 = arith.cmpi eq, %add3A, %eq3A : i32
    %convert_element_type3A = arith.extui %eq3A_34 : i1 to i32
    %cond3A = arith.constant 0 : i32
    %cond3A_35 = arith.cmpi ne, %convert_element_type3A, %cond3A : i32
    scf.if %cond3A_35 {
      "tpu.region"() ({
        %run_scoped3A = tpu.sem_alloc : memref<!tpu.dma_semaphore, #tpu.memory_space<semaphore_mem>>
        %dma_start3A = arith.constant 0 : i32
        %dma_start3A_38 = arith.constant 0 : i32
        %dma_start3A_39 = tpu.memref_slice %arg6[%dma_start3A, %dma_start3A_38] : memref<2x4096xi32, #tpu.memory_space<vmem>> -> memref<2x2048xi32, #tpu.memory_space<vmem>>
        %dma_start3A_40 = arith.constant 0 : i32
        %dma_start3A_41 = arith.constant 6397952 : i32
        %dma_start3A_42 = tpu.memref_slice %arg3[%dma_start3A_40, %dma_start3A_41] : memref<2x6400000xi32, #tpu.memory_space<hbm>> -> memref<2x2048xi32, #tpu.memory_space<hbm>>
        %dma_start3A_43 = arith.constant 0 : i32
        %dma_start3A_44 = arith.constant 0 : i32
        %dma_start3A_45 = tpu.memref_slice %arg6[%dma_start3A_43, %dma_start3A_44] : memref<2x4096xi32, #tpu.memory_space<vmem>> -> memref<2x2048xi32, #tpu.memory_space<vmem>>
        %dma_start3A_46 = arith.constant 0 : i32
        %dma_start3A_47 = arith.constant 6397952 : i32
        %dma_start3A_48 = tpu.memref_slice %arg3[%dma_start3A_46, %dma_start3A_47] : memref<2x6400000xi32, #tpu.memory_space<hbm>> -> memref<2x2048xi32, #tpu.memory_space<hbm>>
        tpu.enqueue_dma source(%dma_start3A_48 : memref<2x2048xi32, #tpu.memory_space<hbm>>) target(%dma_start3A_45 : memref<2x2048xi32, #tpu.memory_space<vmem>>) target_semaphore(%run_scoped3A : memref<!tpu.dma_semaphore, #tpu.memory_space<semaphore_mem>>)
        %dma_wait3A = arith.constant 0 : i32
        %dma_wait3A_49 = arith.constant 0 : i32
        %dma_wait3A_50 = tpu.memref_slice %arg6[%dma_wait3A, %dma_wait3A_49] : memref<2x4096xi32, #tpu.memory_space<vmem>> -> memref<2x2048xi32, #tpu.memory_space<vmem>>
        %dma_wait3A_51 = arith.constant 0 : i32
        %dma_wait3A_52 = arith.constant 6397952 : i32
        %dma_wait3A_53 = tpu.memref_slice %arg3[%dma_wait3A_51, %dma_wait3A_52] : memref<2x6400000xi32, #tpu.memory_space<hbm>> -> memref<2x2048xi32, #tpu.memory_space<hbm>>
        %dma_wait3A_54 = arith.constant 0 : i32
        %dma_wait3A_55 = arith.constant 0 : i32
        %dma_wait3A_56 = tpu.memref_slice %arg6[%dma_wait3A_54, %dma_wait3A_55] : memref<2x4096xi32, #tpu.memory_space<vmem>> -> memref<2x2048xi32, #tpu.memory_space<vmem>>
        %dma_wait3A_57 = arith.constant 0 : i32
        %dma_wait3A_58 = arith.constant 6397952 : i32
        %dma_wait3A_59 = tpu.memref_slice %arg3[%dma_wait3A_57, %dma_wait3A_58] : memref<2x6400000xi32, #tpu.memory_space<hbm>> -> memref<2x2048xi32, #tpu.memory_space<hbm>>
        tpu.wait_dma2 semaphore(%run_scoped3A : memref<!tpu.dma_semaphore, #tpu.memory_space<semaphore_mem>>) src(%dma_wait3A_59 : memref<2x2048xi32, #tpu.memory_space<hbm>>) dst(%dma_wait3A_56 : memref<2x2048xi32, #tpu.memory_space<vmem>>)
        tpu.yield
      }) : () -> ()
      %parallel_loop3A = arith.constant 0 : i32
      %parallel_loop3A_36 = arith.constant 2048 : i32
      %parallel_loop3A_37 = arith.constant 16 : i32
      scf.for %parallel_loop3A_38 = %parallel_loop3A to %parallel_loop3A_36 step %parallel_loop3A_37  : i32 {
        %parallel_loop3A_39 = arith.constant 0 : i32
        %parallel_loop3A_40 = arith.index_cast %parallel_loop3A_39 : i32 to index
        %parallel_loop3A_41 = arith.index_cast %parallel_loop3A_38 : i32 to index
        %parallel_loop3A_42 = tpu.vector_load %arg6[%parallel_loop3A_40, %parallel_loop3A_41] {strides = array<i32>} : memref<2x4096xi32, #tpu.memory_space<vmem>>, vector<16xi32>,
        %parallel_loop3A_43 = arith.constant 1 : i32
        %parallel_loop3A_44 = arith.index_cast %parallel_loop3A_43 : i32 to index
        %parallel_loop3A_45 = arith.index_cast %parallel_loop3A_38 : i32 to index
        %parallel_loop3A_46 = tpu.vector_load %arg6[%parallel_loop3A_44, %parallel_loop3A_45] {strides = array<i32>} : memref<2x4096xi32, #tpu.memory_space<vmem>>, vector<16xi32>,
        %parallel_loop3A_47 = tpu.vector_load_idx %arg5[%parallel_loop3A_42] : memref<100000xf32, #tpu.memory_space<vmem>>[vector<16xi32>], vector<16xf32>,
        %parallel_loop3A_48 = arith.constant 0 : i32
        %parallel_loop3A_49 = arith.index_cast %parallel_loop3A_48 : i32 to index
        %parallel_loop3A_50 = arith.index_cast %parallel_loop3A_38 : i32 to index
        %parallel_loop3A_51 = tpu.vector_load %arg7[%parallel_loop3A_49, %parallel_loop3A_50] {strides = array<i32>} : memref<2x4096xf32, #tpu.memory_space<vmem>>, vector<16xf32>,
        tpu.vector_store %arg7[%parallel_loop3A_49, %parallel_loop3A_50], %parallel_loop3A_47 {strides = array<i32>} : memref<2x4096xf32, #tpu.memory_space<vmem>>, vector<16xf32>,
        %parallel_loop3A_52 = tpu.vector_load_idx %arg5[%parallel_loop3A_46] : memref<100000xf32, #tpu.memory_space<vmem>>[vector<16xi32>], vector<16xf32>,
        %parallel_loop3A_53 = arith.constant 1 : i32
        %parallel_loop3A_54 = arith.index_cast %parallel_loop3A_53 : i32 to index
        %parallel_loop3A_55 = arith.index_cast %parallel_loop3A_38 : i32 to index
        %parallel_loop3A_56 = tpu.vector_load %arg7[%parallel_loop3A_54, %parallel_loop3A_55] {strides = array<i32>} : memref<2x4096xf32, #tpu.memory_space<vmem>>, vector<16xf32>,
        tpu.vector_store %arg7[%parallel_loop3A_54, %parallel_loop3A_55], %parallel_loop3A_52 {strides = array<i32>} : memref<2x4096xf32, #tpu.memory_space<vmem>>, vector<16xf32>,
      } {sc.loop_unroll_factor = 8 : i64, sc.parallel_access}
      "tpu.region"() ({
        %run_scoped3A = tpu.sem_alloc : memref<!tpu.dma_semaphore, #tpu.memory_space<semaphore_mem>>
        %dma_start3A = arith.constant 0 : i32
        %dma_start3A_38 = arith.constant 0 : i32
        %dma_start3A_39 = tpu.memref_slice %arg7[%dma_start3A, %dma_start3A_38] : memref<2x4096xf32, #tpu.memory_space<vmem>> -> memref<2x2048xf32, #tpu.memory_space<vmem>>
        %dma_start3A_40 = arith.constant 0 : i32
        %dma_start3A_41 = arith.constant 6397952 : i32
        %dma_start3A_42 = tpu.memref_slice %arg4[%dma_start3A_40, %dma_start3A_41] : memref<2x6400000xf32, #tpu.memory_space<hbm>> -> memref<2x2048xf32, #tpu.memory_space<hbm>>
        %dma_start3A_43 = arith.constant 0 : i32
        %dma_start3A_44 = arith.constant 6397952 : i32
        %dma_start3A_45 = tpu.memref_slice %arg4[%dma_start3A_43, %dma_start3A_44] : memref<2x6400000xf32, #tpu.memory_space<hbm>> -> memref<2x2048xf32, #tpu.memory_space<hbm>>
        %dma_start3A_46 = arith.constant 0 : i32
        %dma_start3A_47 = arith.constant 0 : i32
        %dma_start3A_48 = tpu.memref_slice %arg7[%dma_start3A_46, %dma_start3A_47] : memref<2x4096xf32, #tpu.memory_space<vmem>> -> memref<2x2048xf32, #tpu.memory_space<vmem>>
        tpu.enqueue_dma source(%dma_start3A_48 : memref<2x2048xf32, #tpu.memory_space<vmem>>) target(%dma_start3A_45 : memref<2x2048xf32, #tpu.memory_space<hbm>>) target_semaphore(%run_scoped3A : memref<!tpu.dma_semaphore, #tpu.memory_space<semaphore_mem>>)
        %dma_wait3A = arith.constant 0 : i32
        %dma_wait3A_49 = arith.constant 0 : i32
        %dma_wait3A_50 = tpu.memref_slice %arg7[%dma_wait3A, %dma_wait3A_49] : memref<2x4096xf32, #tpu.memory_space<vmem>> -> memref<2x2048xf32, #tpu.memory_space<vmem>>
        %dma_wait3A_51 = arith.constant 0 : i32
        %dma_wait3A_52 = arith.constant 6397952 : i32
        %dma_wait3A_53 = tpu.memref_slice %arg4[%dma_wait3A_51, %dma_wait3A_52] : memref<2x6400000xf32, #tpu.memory_space<hbm>> -> memref<2x2048xf32, #tpu.memory_space<hbm>>
        %dma_wait3A_54 = arith.constant 0 : i32
        %dma_wait3A_55 = arith.constant 6397952 : i32
        %dma_wait3A_56 = tpu.memref_slice %arg4[%dma_wait3A_54, %dma_wait3A_55] : memref<2x6400000xf32, #tpu.memory_space<hbm>> -> memref<2x2048xf32, #tpu.memory_space<hbm>>
        %dma_wait3A_57 = arith.constant 0 : i32
        %dma_wait3A_58 = arith.constant 0 : i32
        %dma_wait3A_59 = tpu.memref_slice %arg7[%dma_wait3A_57, %dma_wait3A_58] : memref<2x4096xf32, #tpu.memory_space<vmem>> -> memref<2x2048xf32, #tpu.memory_space<vmem>>
        tpu.wait_dma2 semaphore(%run_scoped3A : memref<!tpu.dma_semaphore, #tpu.memory_space<semaphore_mem>>) src(%dma_wait3A_59 : memref<2x2048xf32, #tpu.memory_space<vmem>>) dst(%dma_wait3A_56 : memref<2x2048xf32, #tpu.memory_space<hbm>>)
        tpu.yield
      }) : () -> ()
    } else {
    }
    return
  }
}

module attributes {stable_mosaic.version = 14 : i64} {
  func.func @body(%arg0: i32, %arg1: memref<4x64000xf32, #tpu.memory_space<vmem>>, %arg2: memref<4x64000xf32, #tpu.memory_space<vmem>>) attributes {dimension_semantics = [#tpu.dimension_semantics<arbitrary>], iteration_bounds = array<i64: 100>, scalar_prefetch = 0 : i64, scratch_operands = 0 : i64, tpu.core_type = #tpu.core_type<tc>, window_params = [{transform_indices = @transform_0, window_bounds = array<i64: 4, 64000>}, {transform_indices = @transform_1, window_bounds = array<i64: 4, 64000>}]} {
    %get3A = arith.constant 0 : index
    %get3A_0 = arith.constant 0 : index
    %get3A_1 = vector.load %arg1[%get3A, %get3A_0] : memref<4x64000xf32, #tpu.memory_space<vmem>>, vector<4x64000xf32>
    %iota3A = tpu.iota {dimensions = array<i32: 0>} : vector<4x64000xi32>
    %eq3A = arith.constant 0 : i32
    %eq3A_2 = vector.broadcast %eq3A : i32 to vector<4x64000xi32>
    %eq3A_3 = arith.cmpi eq, %iota3A, %eq3A_2 : vector<4x64000xi32>
    %mul3A = arith.constant 0.636619746 : f32
    %mul3A_4 = vector.broadcast %mul3A : f32 to vector<4x64000xf32>
    %mul3A_5 = arith.mulf %get3A_1, %mul3A_4 : vector<4x64000xf32>
    %add3A = arith.constant 0x4B400000 : f32
    %add3A_6 = vector.broadcast %add3A : f32 to vector<4x64000xf32>
    %add3A_7 = arith.addf %mul3A_5, %add3A_6 : vector<4x64000xf32>
    %sub3A = arith.constant 0x4B400000 : f32
    %sub3A_8 = vector.broadcast %sub3A : f32 to vector<4x64000xf32>
    %sub3A_9 = arith.subf %add3A_7, %sub3A_8 : vector<4x64000xf32>
    %bitcast_convert_type3A = tpu.bitcast %add3A_7 : vector<4x64000xf32> -> vector<4x64000xi32>
    %mul3A_10 = arith.constant 1.5703125 : f32
    %mul3A_11 = vector.broadcast %mul3A_10 : f32 to vector<4x64000xf32>
    %mul3A_12 = arith.mulf %sub3A_9, %mul3A_11 : vector<4x64000xf32>
    %sub3A_13 = arith.subf %get3A_1, %mul3A_12 : vector<4x64000xf32>
    %mul3A_14 = arith.constant 4.83751297E-4 : f32
    %mul3A_15 = vector.broadcast %mul3A_14 : f32 to vector<4x64000xf32>
    %mul3A_16 = arith.mulf %sub3A_9, %mul3A_15 : vector<4x64000xf32>
    %sub3A_17 = arith.subf %sub3A_13, %mul3A_16 : vector<4x64000xf32>
    %mul3A_18 = arith.constant 7.549790e-08 : f32
    %mul3A_19 = vector.broadcast %mul3A_18 : f32 to vector<4x64000xf32>
    %mul3A_20 = arith.mulf %sub3A_9, %mul3A_19 : vector<4x64000xf32>
    %sub3A_21 = arith.subf %sub3A_17, %mul3A_20 : vector<4x64000xf32>
    %mul3A_22 = arith.mulf %sub3A_21, %sub3A_21 : vector<4x64000xf32>
    %mul3A_23 = arith.constant 2.44331568E-5 : f32
    %mul3A_24 = vector.broadcast %mul3A_23 : f32 to vector<4x64000xf32>
    %mul3A_25 = arith.mulf %mul3A_22, %mul3A_24 : vector<4x64000xf32>
    %add3A_26 = arith.constant -0.00138873165 : f32
    %add3A_27 = vector.broadcast %add3A_26 : f32 to vector<4x64000xf32>
    %add3A_28 = arith.addf %add3A_27, %mul3A_25 : vector<4x64000xf32>
    %mul3A_29 = arith.mulf %mul3A_22, %add3A_28 : vector<4x64000xf32>
    %add3A_30 = arith.constant 0.0416666456 : f32
    %add3A_31 = vector.broadcast %add3A_30 : f32 to vector<4x64000xf32>
    %add3A_32 = arith.addf %add3A_31, %mul3A_29 : vector<4x64000xf32>
    %mul3A_33 = arith.mulf %mul3A_22, %add3A_32 : vector<4x64000xf32>
    %add3A_34 = arith.constant -5.000000e-01 : f32
    %add3A_35 = vector.broadcast %add3A_34 : f32 to vector<4x64000xf32>
    %add3A_36 = arith.addf %add3A_35, %mul3A_33 : vector<4x64000xf32>
    %mul3A_37 = arith.mulf %mul3A_22, %add3A_36 : vector<4x64000xf32>
    %add3A_38 = arith.constant 1.000000e+00 : f32
    %add3A_39 = vector.broadcast %add3A_38 : f32 to vector<4x64000xf32>
    %add3A_40 = arith.addf %add3A_39, %mul3A_37 : vector<4x64000xf32>
    %mul3A_41 = arith.mulf %sub3A_21, %mul3A_22 : vector<4x64000xf32>
    %mul3A_42 = arith.constant -1.95152956E-4 : f32
    %mul3A_43 = vector.broadcast %mul3A_42 : f32 to vector<4x64000xf32>
    %mul3A_44 = arith.mulf %mul3A_22, %mul3A_43 : vector<4x64000xf32>
    %add3A_45 = arith.constant 0.00833216123 : f32
    %add3A_46 = vector.broadcast %add3A_45 : f32 to vector<4x64000xf32>
    %add3A_47 = arith.addf %add3A_46, %mul3A_44 : vector<4x64000xf32>
    %mul3A_48 = arith.mulf %mul3A_22, %add3A_47 : vector<4x64000xf32>
    %add3A_49 = arith.constant -0.166666552 : f32
    %add3A_50 = vector.broadcast %add3A_49 : f32 to vector<4x64000xf32>
    %add3A_51 = arith.addf %add3A_50, %mul3A_48 : vector<4x64000xf32>
    %mul3A_52 = arith.mulf %mul3A_41, %add3A_51 : vector<4x64000xf32>
    %add3A_53 = arith.addf %sub3A_21, %mul3A_52 : vector<4x64000xf32>
    %and3A = arith.constant 1 : i32
    %and3A_54 = vector.broadcast %and3A : i32 to vector<4x64000xi32>
    %and3A_55 = arith.andi %bitcast_convert_type3A, %and3A_54 : vector<4x64000xi32>
    %eq3A_56 = arith.constant 1 : i32
    %eq3A_57 = vector.broadcast %eq3A_56 : i32 to vector<4x64000xi32>
    %eq3A_58 = arith.cmpi eq, %and3A_55, %eq3A_57 : vector<4x64000xi32>
    %select_n3A = arith.select %eq3A_58, %add3A_53, %add3A_40 : vector<4x64000xi1>, vector<4x64000xf32>
    %add3A_59 = arith.constant 1 : i32
    %add3A_60 = vector.broadcast %add3A_59 : i32 to vector<4x64000xi32>
    %add3A_61 = arith.addi %bitcast_convert_type3A, %add3A_60 : vector<4x64000xi32>
    %shift_left3A = arith.constant 30 : i32
    %shift_left3A_62 = vector.broadcast %shift_left3A : i32 to vector<4x64000xi32>
    %shift_left3A_63 = arith.shli %add3A_61, %shift_left3A_62 : vector<4x64000xi32>
    %and3A_64 = arith.constant -2147483648 : i32
    %and3A_65 = vector.broadcast %and3A_64 : i32 to vector<4x64000xi32>
    %and3A_66 = arith.andi %shift_left3A_63, %and3A_65 : vector<4x64000xi32>
    %bitcast_convert_type3A_67 = tpu.bitcast %select_n3A : vector<4x64000xf32> -> vector<4x64000xi32>
    %xor3A = arith.xori %bitcast_convert_type3A_67, %and3A_66 : vector<4x64000xi32>
    %bitcast_convert_type3A_68 = tpu.bitcast %xor3A : vector<4x64000xi32> -> vector<4x64000xf32>
    %select_n3A_69 = arith.select %eq3A_3, %get3A_1, %bitcast_convert_type3A_68 : vector<4x64000xi1>, vector<4x64000xf32>
    %swap3A = arith.constant 0 : index
    %swap3A_70 = arith.constant 0 : index
    %swap3A_71 = vector.load %arg2[%swap3A, %swap3A_70] : memref<4x64000xf32, #tpu.memory_space<vmem>>, vector<4x64000xf32>
    tpu.vector_store %arg2[%swap3A, %swap3A_70], %select_n3A_69 {strides = array<i32>} : memref<4x64000xf32, #tpu.memory_space<vmem>>, vector<4x64000xf32>,
    return
  }
  func.func @transform_0(%arg0: i32) -> (i32, i32) {
    %c0_i32 = arith.constant 0 : i32
    %c0_i32_0 = arith.constant 0 : i32
    return %c0_i32, %arg0 : i32, i32
  }
  func.func @transform_1(%arg0: i32) -> (i32, i32) {
    %c0_i32 = arith.constant 0 : i32
    %c0_i32_0 = arith.constant 0 : i32
    return %c0_i32, %arg0 : i32, i32
  }
}

</mosaic_0001>

<sc_bundles>
// kernel: kernel.4.cloned.1.call-start
scs
__scs_entry_jumppad:
0x0: {  	(pc) =	sbr.rel $0x88, $3  }
0x1: {  	(tag) =	ssettag $0x0;
	lr =	simm.s32 $0x1  }
0x2: {  	[smem:$0x3F9E] =	sst lr;
	_ =	strace $0xD0000000  }
0x3: {  	_ = 	snop  }
0x4: {  	_ = 	snop  }
0x5: {  	_ = 	snop  }
0x6: {  	_ = 	snop  }
0x7: {  	_ = 	snop  }
__scs_overlays_trampoline_lowered:
0x8: {  	[smem:$0x3FAD] =	sst s0  }
0x9: {  	[smem:$0x3FAE] =	sst s1  }
0xa: {  	[smem:$0x3FAF] =	sst s2  }
0xb: {  	[smem:$0x3FB0] =	sst s3  }
0xc: {  	[smem:$0x3FB1] =	sst s4  }
0xd: {  	[smem:$0x3FB2] =	sst s5  }
0xe: {  	[smem:$0x3FB3] =	sst s6  }
0xf: {  	[smem:$0x3FB4] =	sst s7  }
0x10: {  	[smem:$0x3FB5] =	sst s8  }
0x11: {  	[smem:$0x3FB6] =	sst s9;
	s0 =	simm.s32 @!p0 $0x0  }
0x12: {  	s1 =	sld [smem:$0x3F9C];
	s0 =	simm.s32 @p0 $0x1  }
0x13: {  	[smem:$0x3FB7] =	sst s0;
	s0 =	simm.s32 @!p1 $0x0  }
0x14: {  	s2 =	sld [smem:$0x3F9B];
	s0 =	simm.s32 @p1 $0x1  }
0x15: {  	[smem:$0x3FB8] =	sst s0;
	s0 =	simm.s32 @!p2 $0x0  }
0x16: {  	s3 =	sld [smem:$0x3FDB];
	s0 =	simm.s32 @p2 $0x1  }
0x17: {  	s4 =	simm.s32 $0x1BF5;
	[smem:$0x3FBA] =	sst s0  }
0x18: {  	s0 =	sld [smem:$0x3F9D];
	_ =	swait.ge [sflag:s4], $0x0  }
0x19: {  	s7 =	sld [smem:$0x3F9E]  }
0x1a: {  	s8 =	sadd.s32 $0xFFFFE003, lr  }
0x1b: {  	s9 =	sadd.s32 $0xFFFFFEF7, lr;
	s5 =	simm.s32 $0xFFFFFFFF;
	p2 =	slt.u32 s8, $0xFFFFF086  }
0x1c: {  	p1 =	slt.u32 s9, $0xF7A;
	s5 =	simm.s32 @!p2 $0x0  }
0x1d: {  	s5 =	simm.s32 @p1 $0x1;
	p0 =	seq.s32 s7, s2  }
0x1e: {  	s7 =	smul.u32 @!p0 $0xF7A, s2;
	p2 =	seq.s32 @!p0 s5, $0x0  }
0x1f: {  	s9 =	smul.u32 $0xF7A, s1;
	s8 =	simm.s32 @!p0 $0x1BF5;
	p2 =	por !p2, p0  }
0x20: {  	[sflag:s8] =	ssyncset.s32 @!p0 $0xFFFFF086;
	s6 =	sadd.s32 @!p0 s3, s7;
	s7 =	simm.s32 @!p0 $0x108  }
0x21: {  	s3 =	sadd.s32 s3, s9;
	s6 =	sadd.s32 @!p0 $0x88, s6;
	s7 =	simm.s32 @p2 $0x1082  }
0x22: {  	[simem:s7], [sflag:s8] =	dma.local @!p0 [hbm:s6], $0xF7A  }
0x23: {  	s9 =	sor.u32 $0xD0000000, s2;
	s6 =	simm.s32 $0x108;
	_ =	swait.ge @!p0 [sflag:s8], $0x0  }
0x24: {  	s3 =	sadd.s32 $0x88, s3;
	s6 =	simm.s32 @!p1 $0x1082;
	[sflag:s4] =	ssyncset.s32 $0xFFFFF086  }
0x25: {  	[simem:s6], [sflag:s4] =	dma.local [hbm:s3], $0xF7A  }
0x26: {  	[smem:$0x3F9E] =	sst s1;
	(tag) =	ssettag s2;
	_ =	strace s9  }
0x27: {  	s1 =	sld [smem:$0x3FAE]  }
0x28: {  	s2 =	sld [smem:$0x3FAF]  }
0x29: {  	s4 =	sld [smem:$0x3FB1]  }
0x2a: {  	p0 =	seq.s32 s5, $0x0;
	s5 =	sld [smem:$0x3FB2]  }
0x2b: {  	s6 =	sld [smem:$0x3FB3]  }
0x2c: {  	s7 =	sld [smem:$0x3FB4]  }
0x2d: {  	s3 =	simm.s32 $0x108;
	s8 =	sld [smem:$0x3FB5]  }
0x2e: {  	s3 =	simm.s32 @!p0 $0x1082;
	s9 =	sld [smem:$0x3FB6]  }
0x2f: {  	lr =	sadd.s32 s0, s3;
	s0 =	sld [smem:$0x3FAD]  }
0x30: {  	s3 =	sld [smem:$0x3FB0]  }
0x31: {  	[smem:$0x3FB9] =	sst s10  }
0x32: {  	s10 =	sld [smem:$0x3FB7];
	_ =	sdelay $0x3  }
0x33: {  	p0 =	seq.s32 s10, $0x1;
	s10 =	sld [smem:$0x3FB9];
	_ =	sdelay $0x3  }
0x34: {  	[smem:$0x3FB9] =	sst s10  }
0x35: {  	s10 =	sld [smem:$0x3FB8];
	_ =	sdelay $0x3  }
0x36: {  	p1 =	seq.s32 s10, $0x1;
	s10 =	sld [smem:$0x3FB9];
	_ =	sdelay $0x3  }
0x37: {  	[smem:$0x3FB9] =	sst s10  }
0x38: {  	s10 =	sld [smem:$0x3FBA]  }
0x39: {  	_ = 	snop;
	(pc) =	sbr.ind lr, $3  }
0x3a: {  	_ = 	snop  }
0x3b: {  	_ = 	snop  }
0x3c: {  	p2 =	seq.s32 s10, $0x1;
	s10 =	sld [smem:$0x3FB9]  }
0x3d: {  	_ =	shalt  }
0x3e: {  	_ =	shalt  }
0x3f: {  	_ =	shalt  }
0x40: {  	_ =	shalt  }
0x41: {  	_ =	shalt  }
0x42: {  	_ =	shalt  }
0x43: {  	_ =	shalt  }
0x44: {  	_ =	shalt  }
0x45: {  	_ =	shalt  }
0x46: {  	_ =	shalt  }
0x47: {  	_ =	shalt  }
0x48: {  	_ =	shalt  }
0x49: {  	_ =	shalt  }
0x4a: {  	_ =	shalt  }
0x4b: {  	_ =	shalt  }
0x4c: {  	_ =	shalt  }
0x4d: {  	_ =	shalt  }
0x4e: {  	_ =	shalt  }
0x4f: {  	_ =	shalt  }
0x50: {  	_ =	shalt  }
0x51: {  	_ =	shalt  }
0x52: {  	_ =	shalt  }
0x53: {  	_ =	shalt  }
0x54: {  	_ =	shalt  }
0x55: {  	_ =	shalt  }
0x56: {  	_ =	shalt  }
0x57: {  	_ =	shalt  }
0x58: {  	_ =	shalt  }
0x59: {  	_ =	shalt  }
0x5a: {  	_ =	shalt  }
0x5b: {  	_ =	shalt  }
0x5c: {  	_ =	shalt  }
0x5d: {  	_ =	shalt  }
0x5e: {  	_ =	shalt  }
0x5f: {  	_ =	shalt  }
0x60: {  	_ =	shalt  }
0x61: {  	_ =	shalt  }
0x62: {  	_ =	shalt  }
0x63: {  	_ =	shalt  }
0x64: {  	_ =	shalt  }
0x65: {  	_ =	shalt  }
0x66: {  	_ =	shalt  }
0x67: {  	_ =	shalt  }
0x68: {  	_ =	shalt  }
0x69: {  	_ =	shalt  }
0x6a: {  	_ =	shalt  }
0x6b: {  	_ =	shalt  }
0x6c: {  	_ =	shalt  }
0x6d: {  	_ =	shalt  }
0x6e: {  	_ =	shalt  }
0x6f: {  	_ =	shalt  }
0x70: {  	_ =	shalt  }
0x71: {  	_ =	shalt  }
0x72: {  	_ =	shalt  }
0x73: {  	_ =	shalt  }
0x74: {  	_ =	shalt  }
0x75: {  	_ =	shalt  }
0x76: {  	_ =	shalt  }
0x77: {  	_ =	shalt  }
0x78: {  	_ =	shalt  }
0x79: {  	_ =	shalt  }
0x7a: {  	_ =	shalt  }
0x7b: {  	_ =	shalt  }
0x7c: {  	_ =	shalt  }
0x7d: {  	_ =	shalt  }
0x7e: {  	_ =	shalt  }
0x7f: {  	_ =	shalt  }
0x80: {  	_ =	shalt  }
0x81: {  	_ =	shalt  }
0x82: {  	_ =	shalt  }
0x83: {  	_ =	shalt  }
0x84: {  	_ =	shalt  }
0x85: {  	_ =	shalt  }
0x86: {  	_ =	shalt  }
0x87: {  	_ =	shalt  }
.Lfunc_end0:
.L_simem_size_0:
called_computation_lowered:
.L_overlay_start_0:
0x88: {  	s2 =	sld [smem:$0x3FD9]  }
0x89: {  	s3 =	sld [smem:$0x3FFE];
	_ =	sdelay $0x1  }
0x8a: {  	s1 =	srdreg.scid  }
0x8b: {  	s0 =	sand.u32 $0x1, s1  }
0x8c: {  	s15 =	sshll.u32 s0, $0xA;
	s2 =	sadd.s32 s3, s2  }
0x8d: {  	s2 =	sadd.s32 s2, s15  }
0x8e: {  	[smem:$0x3FC5] =	sst s2  }
0x8f: {  	_ = 	snop  }
0x90: {  	s2 =	sld [smem:$0x3FD0];
	_ =	sdelay $0x1  }
0x91: {  	s16 =	sld [smem:$0x3FC9]  }
0x92: {  	s5 =	simm.s32 $0xA;
	s6 =	simm.s32 $0x10;
	s4 =	sld [smem:$0x3FC7]  }
0x93: {  	[smem:s6], [sflag:s5] =	dma.local [hbm:s2], $0x1  }
0x94: {  	_ =	swait.eq [sflag:s5], $0x1  }
0x95: {  	[sflag:s5] =	ssyncset.done $0x0  }
0x96: {  	[sflag:s5] =	ssyncadd.s32 $0xFFFFFFFF  }
0x97: {  	s17 =	sld [smem:$0x11];
	(tm) =	ssettm $0x1  }
0x98: {  	s18 =	sld [smem:$0x3FFB];
	_ =	sdelay $0x3  }
0x99: {  	_ =	strace s18  }
0x9a: {  	s5 =	sld [smem:$0x3FFC];
	_ =	sdelay $0x3  }
0x9b: {  	_ =	strace s5  }
0x9c: {  	s5 =	sld [smem:$0x3FFD];
	_ =	sdelay $0x3  }
0x9d: {  	_ =	strace s5  }
0x9e: {  	_ =	strace $0x8FFFFFFF  }
0x9f: {  	s19 =	sld [smem:$0x3FDB];
	_ =	sdelay $0x1  }
0xa0: {  	s20 =	simm.s32 $_scs_section_size  }
0xa1: {  	s7 =	simm.s32 $_size__tile_overlayer_lowered;
	s8 =	simm.s32 $_tile_overlayer_lowered  }
0xa2: {  	s23 =	simm.s32 $0x1BFF;
	s22 =	sshll.u32 s8, $0x1;
	s5 =	sadd.s32 s20, s19  }
0xa3: {  	s9 =	simm.s32 $0x0;
	s21 =	sshll.u32 s7, $0x1;
	s7 =	sadd.s32 s22, s5  }
0xa4: {  	[timem:s9], [sflag:s23] =	dma.local [hbm:s7], s21  }
0xa5: {  	_ =	swait.ge [sflag:s23], s21  }
0xa6: {  	s6 =	ssub.s32 $0x0, s21;
	[sflag:s23] =	ssyncset.done $0x0  }
0xa7: {  	[sflag:s23] =	ssyncadd.s32 s6;
	_ =	sdelay $0x1  }
0xa8: {  	s24 =	simm.s32 $0x1B8B  }
0xa9: {  	_ =	swait.ge [sflag:s24], $0x1  }
0xaa: {  	[sflag:s24] =	ssyncset.done $0x0  }
0xab: {  	s25 =	simm.s32 $0x1B8E;
	[sflag:s24] =	ssyncadd.s32 $0xFFFFFFFF  }
0xac: {  	s26 =	simm.s32 $execute0_lowered;
	[smem:$0x3FD2] =	sst s25  }
0xad: {  	s6 =	sshll.u32 s26, $0x1;
	_ =	strace $0x80000046;
	[dreg:$0x1] =	wrdreg $0xFFFFFFFF  }
0xae: {  	s28 =	simm.s32 $_size_execute0_lowered;
	s5 =	sadd.s32 s5, s6;
	[dreg:$0x0] =	wrdreg $0x0  }
0xaf: {  	s6 =	sshll.u32 s28, $0x1;
	[dreg:$0x2] =	wrdreg s5  }
0xb0: {  	[dreg:$0x3] =	wrdreg s6  }
0xb1: {  	[dreg:$0x4] =	wrdreg $0xC0  }
0xb2: {  	_ =	task [dreg:s9], $0x5FFFF  }
0xb3: {  	[dreg:$0x1] =	wrdreg $0xFFFFFFFF  }
0xb4: {  	[dreg:$0x0] =	wrdreg $0x60  }
0xb5: {  	[dreg:$0x2] =	wrdreg s16  }
0xb6: {  	[dreg:$0x3] =	wrdreg s4  }
0xb7: {  	[dreg:$0x4] =	wrdreg s17  }
0xb8: {  	[dreg:$0x5] =	wrdreg $0x9  }
0xb9: {  	_ =	task.clear_ibuf [dreg:s9], $0x6FFFF;
	_ =	strace $0x90000046  }
0xba: {  	s29 =	simm.s32 $0x9;
	_ =	strace $0x80000048  }
0xbb: {  	_ =	swait.ge [sflag:s29], $0x1  }
0xbc: {  	[sflag:s29] =	ssyncadd.s32 $0xFFFFFFFF  }
0xbd: {  	_ =	strace $0x90000048  }
0xbe: {  	_ =	sfence  }
0xbf: {  	s30 =	sld [smem:$0x0];
	_ =	sdelay $0x2  }
0xc0: {  	s31 =	sshll.u32 s1, $0xD;
	s1 =	sshrl.u32 s1, $0x2  }
0xc1: {  	s3 =	sand.u32 $0x4000, s31;
	s1 =	sadd.s32 s1, s30  }
0xc2: {  	s0 =	sor.u32 s3, s0;
	s1 =	sshll.u32 s1, $0x11  }
0xc3: {  	s0 =	sor.u32 s1, s0  }
0xc4: {  	s0 =	sadd.s32 $0x8F2B, s0  }
0xc5: {  	[sflag:s0] =	ssyncadd.remote.s32 $0x1  }
0xc6: {  	_ =	sfence.sel $0xFFFF  }
0xc7: {  	[dreg:$0x0] =	wrdreg $0xFFFFFFFF;
	(pc) =	sbr.abs _section_cstart, $3  }
0xc8: {  	[dreg:$0x1] =	wrdreg $0xFFFFFFFF  }
0xc9: {  	_ =	task.clear_ibuf [dreg:s9], $0x2FFFF;
	_ =	strace $0x9FFFFFFF  }
0xca: {  	(tm) =	ssettm $0x7FFFFFFF  }
0xcb: {  	_ =	shalt  }
tec
execute0_lowered:
.L_overlay_start_1:
0x0: {  	(tag) =	ssettag $0x1  }
0x1: {  	s1 =	rddreg [dreg:$0x0]  }
0x2: {  	s2 =	rddreg [dreg:$0x1]  }
0x3: {  	s4 =	rddreg [dreg:$0x2]  }
0x4: {  	s0 =	rddreg [dreg:$0x3];
	s6 =	srdreg.scid;
	s5 =	simm.s32 $0x0  }
0x5: {  	s3 =	stileid.u32;
	s11 =	simm.s32 $0x1;
	s12 =	simm.s32 $0x18700  }
0x6: {  	s13 =	simm.s32 $0x1A700;
	s6 =	sand.u32 $0x1, s6;
	[smem:$0x7FF] =	sst s5  }
.Ltmp0:
0x7: {  	s8 =	sshll.u32 s3, $0x1;
	s7 =	ssub.s32 $0x2, s6;
	(pc) =	sbr.rel .LBB2_1-.Ltmp0, $4  }
0x8: {  	_ =	strace $0x80000047;
	s14 =	sor.u32 s6, s8;
	s8 =	sadd.s32 $0x186800, s4  }
0x9: {  	s9 =	sshrl.u32 s7, $0x1;
	s6 =	sshll.u32 s14, $0xD;
	s31 =	ssub.s32 $0x639, s14  }
0xa: {  	p0 =	sne.s32 s14, $0x0;
	s14 =	simm.s32 $0x0;
	s10 =	ssub.s32 s7, s9  }
0xb: {  	s7 =	sadd.s32 $0x186800, s2;
	s9 =	sshrl.u32 s31, $0x5;
	s10 =	smax.u32 s10, $0x1  }
.LBB2_9:
0xc: {  	s14 =	sadd.s32 $0x1, s14  }
0xd: {  	p1 =	sne.s32 s14, s10  }
.Ltmp1:
0xe: {  	_ = 	snop;
	(pc) =	sbr.rel @!p1 .LBB2_10-.Ltmp1, $1  }
0xf: {  	_ =	sdelay $0x3  }
.LBB2_1:
0x10: {  	[tilespmem:s5], [sflag:$0x1] =	stream.linear.gather [hbm4b:s1+s5], $0x18700, $0x38;
	[tilespmem:$0x1C700] =	vst v63  }
0x11: {  	_ =	swait.ge [sflag:s11], $0x18700  }
0x12: {  	[sflag:s11] =	ssyncset.done $0x0  }
0x13: {  	s15 =	simm.s32 $0x0;
	[sflag:s11] =	ssyncadd.s32 $0xFFFE7900  }
.LBB2_2:
0x14: {  	s16 =	sshll.u32 s15, $0x12  }
0x15: {  	s16 =	sor.u32 s6, s16  }
0x16: {  	s16 =	sshrl.u32 s16, $0x3  }
0x17: {  	s17 =	sadd.s32 s2, s16  }
0x18: {  	[tilespmem:s12], [sflag:$0x1] =	stream.linear.gather [hbm4b:s17+s5], $0x2000, $0x38;
	[tilespmem:$0x1C700] =	vst v63  }
0x19: {  	_ =	swait.ge [sflag:s11], $0x2000  }
0x1a: {  	[sflag:s11] =	ssyncset.done $0x0  }
0x1b: {  	s18 =	simm.s32 $0x18780;
	[sflag:s11] =	ssyncadd.s32 $0xFFFFE000  }
0x1c: {  	v0 =	vld [tilespmem:s18+$0xFFFFFFF0]  }
0x1d: {  	v1 =	vld [tilespmem:s18+$0xFFFFFF90]  }
0x1e: {  	v2 =	vld [tilespmem:s18+$0xFFFFFFA0]  }
0x1f: {  	v3 =	vld [tilespmem:s18+$0xFFFFFFB0]  }
0x20: {  	v4 =	vld [tilespmem:s18+$0xFFFFFFC0]  }
0x21: {  	v5 =	vld [tilespmem:s18+$0xFFFFFFD0]  }
0x22: {  	v6 =	vld [tilespmem:s18+$0xFFFFFFE0]  }
0x23: {  	v7 =	vld [tilespmem:s18+$0x70]  }
0x24: {  	v8 =	vld [tilespmem:s18+$0xFFFFFF80]  }
0x25: {  	v11 =	vld [tilespmem:s18+$0x30]  }
0x26: {  	v12 =	vld [tilespmem:s18+$0x40]  }
0x27: {  	v0 =	vld.idx.msk [tilespmem:v0+s5+$0x0], $0xffff  }
0x28: {  	v2 =	vld.idx.msk [tilespmem:v2+s5+$0x0], $0xffff  }
0x29: {  	v9 =	vld.idx.msk [tilespmem:v3+s5+$0x0], $0xffff  }
0x2a: {  	v10 =	vld.idx.msk [tilespmem:v4+s5+$0x0], $0xffff  }
0x2b: {  	v5 =	vld.idx.msk [tilespmem:v5+s5+$0x0], $0xffff  }
0x2c: {  	s17 =	simm.s32 $0x1A780;
	v3 =	vld [tilespmem:s18+$0x0]  }
0x2d: {  	[tilespmem:s17+$0xFFFFFFF0] =	vst v0;
	v0 =	vld.idx.msk [tilespmem:v8+s5+$0x0], $0xffff  }
0x2e: {  	v4 =	vld.idx.msk [tilespmem:v7+s5+$0x0], $0xffff  }
0x2f: {  	v7 =	vld [tilespmem:s18+$0x10]  }
0x30: {  	v8 =	vld [tilespmem:s18+$0x20]  }
0x31: {  	v1 =	vld.idx.msk [tilespmem:v1+s5+$0x0], $0xffff;
	[tilespmem:s17+$0xFFFFFFA0] =	vst v2  }
0x32: {  	v13 =	vld [tilespmem:s18+$0x50];
	[tilespmem:s17+$0xFFFFFFB0] =	vst v9  }
0x33: {  	v6 =	vld.idx.msk [tilespmem:v6+s5+$0x0], $0xffff;
	[tilespmem:s17+$0xFFFFFFC0] =	vst v10  }
0x34: {  	[tilespmem:s17+$0xFFFFFFD0] =	vst v5;
	v2 =	vld.idx.msk [tilespmem:v11+s5+$0x0], $0xffff  }
0x35: {  	v5 =	vld.idx.msk [tilespmem:v12+s5+$0x0], $0xffff;
	[tilespmem:s17+$0xFFFFFF80] =	vst v0  }
0x36: {  	[tilespmem:s17+$0xFFFFFF90] =	vst v1;
	v3 =	vld.idx.msk [tilespmem:v3+s5+$0x0], $0xffff  }
0x37: {  	[tilespmem:s17+$0x70] =	vst v4;
	v4 =	vld.idx.msk [tilespmem:v7+s5+$0x0], $0xffff  }
0x38: {  	v1 =	vld.idx.msk [tilespmem:v8+s5+$0x0], $0xffff  }
0x39: {  	v0 =	vld [tilespmem:s18+$0x60]  }
0x3a: {  	s19 =	simm.s32 $0x0;
	s20 =	simm.s32 $0x18880;
	[tilespmem:s17+$0xFFFFFFE0] =	vst v6;
	v6 =	vld.idx.msk [tilespmem:v13+s5+$0x0], $0xffff;
	s18 =	simm.s32 $0x1A780  }
.LBB2_3:
0x3b: {  	v7 =	vld [tilespmem:s20+$0xFFFFFFF0];
	s19 =	sadd.s32 $0x80, s19;
	[tilespmem:s17+$0x0] =	vst v3  }
0x3c: {  	v3 =	vld [tilespmem:s20+$0xFFFFFF90];
	p1 =	slt.u32 s19, $0xF80;
	[tilespmem:s17+$0x10] =	vst v4  }
0x3d: {  	v4 =	vld [tilespmem:s20+$0xFFFFFFA0];
	[tilespmem:s17+$0x20] =	vst v1  }
0x3e: {  	v1 =	vld [tilespmem:s20+$0xFFFFFFB0];
	[tilespmem:s17+$0x30] =	vst v2  }
0x3f: {  	v2 =	vld [tilespmem:s20+$0xFFFFFFC0];
	[tilespmem:s17+$0x40] =	vst v5  }
0x40: {  	v5 =	vld [tilespmem:s20+$0xFFFFFFD0];
	[tilespmem:s17+$0x50] =	vst v6  }
0x41: {  	v6 =	vld [tilespmem:s20+$0xFFFFFFE0]  }
0x42: {  	v8 =	vld [tilespmem:s20+$0x70]  }
0x43: {  	v7 =	vld.idx.msk [tilespmem:v7+s5+$0x0], $0xffff  }
0x44: {  	v9 =	vld [tilespmem:s20+$0xFFFFFF80]  }
0x45: {  	v3 =	vld.idx.msk [tilespmem:v3+s5+$0x0], $0xffff  }
0x46: {  	v4 =	vld.idx.msk [tilespmem:v4+s5+$0x0], $0xffff  }
0x47: {  	v1 =	vld.idx.msk [tilespmem:v1+s5+$0x0], $0xffff  }
0x48: {  	s17 =	sadd.s32 $0x100, s17;
	v2 =	vld.idx.msk [tilespmem:v2+s5+$0x0], $0xffff  }
0x49: {  	v5 =	vld.idx.msk [tilespmem:v5+s5+$0x0], $0xffff;
	[tilespmem:s17+$0xFFFFFFF0] =	vst v7  }
0x4a: {  	v7 =	vld.idx.msk [tilespmem:v8+s5+$0x0], $0xffff  }
0x4b: {  	v6 =	vld.idx.msk [tilespmem:v6+s5+$0x0], $0xffff  }
0x4c: {  	v8 =	vld.idx.msk [tilespmem:v9+s5+$0x0], $0xffff  }
0x4d: {  	v9 =	vld [tilespmem:s20+$0x0]  }
0x4e: {  	v10 =	vld [tilespmem:s20+$0x10];
	[tilespmem:s17+$0xFFFFFF90] =	vst v3  }
0x4f: {  	v11 =	vld [tilespmem:s20+$0x20];
	[tilespmem:s17+$0xFFFFFFA0] =	vst v4  }
0x50: {  	v12 =	vld [tilespmem:s20+$0x30];
	[tilespmem:s17+$0x70] =	vst v7  }
0x51: {  	[tilespmem:s17+$0xFFFFFFB0] =	vst v1;
	v7 =	vld [tilespmem:s20+$0x40]  }
0x52: {  	[tilespmem:s17+$0xFFFFFF80] =	vst v8;
	v8 =	vld [tilespmem:s20+$0x50]  }
0x53: {  	[tilespmem:s17+$0xFFFFFFC0] =	vst v2;
	v13 =	vld [tilespmem:s20+$0x60]  }
0x54: {  	[tilespmem:s17+$0xFFFFFFD0] =	vst v5;
	v14 =	vld.idx.msk [tilespmem:v0+s5+$0x0], $0xffff  }
0x55: {  	v3 =	vld.idx.msk [tilespmem:v9+s5+$0x0], $0xffff;
	[tilespmem:s17+$0xFFFFFFE0] =	vst v6  }
.Ltmp2:
0x56: {  	v4 =	vld.idx.msk [tilespmem:v10+s5+$0x0], $0xffff;
	(pc) =	sbr.rel @p1 .LBB2_3-.Ltmp2, $4  }
0x57: {  	v1 =	vld.idx.msk [tilespmem:v11+s5+$0x0], $0xffff  }
0x58: {  	v2 =	vld.idx.msk [tilespmem:v12+s5+$0x0], $0xffff;
	v0 =	vmov v13  }
0x59: {  	v5 =	vld.idx.msk [tilespmem:v7+s5+$0x0], $0xffff  }
0x5a: {  	s20 =	sadd.s32 $0x100, s20;
	v6 =	vld.idx.msk [tilespmem:v8+s5+$0x0], $0xffff;
	[tilespmem:s18+$0x60] =	vst v14;
	s18 =	smov.u32 s17  }
0x5b: {  	_ =	sdelay $0x2  }
0x5c: {  	[tilespmem:s17+$0x0] =	vst v3  }
0x5d: {  	[tilespmem:s17+$0x10] =	vst v4;
	v0 =	vld.idx.msk [tilespmem:v0+s5+$0x0], $0xffff  }
0x5e: {  	[tilespmem:s17+$0x20] =	vst v1  }
0x5f: {  	[tilespmem:s17+$0x30] =	vst v2  }
0x60: {  	s15 =	sadd.s32 $0x1, s15;
	[tilespmem:s17+$0x40] =	vst v5  }
0x61: {  	p1 =	sne.s32 s15, s9;
	[tilespmem:s17+$0x50] =	vst v6  }
.Ltmp3:
0x62: {  	s16 =	sadd.s32 s4, s16;
	[tilespmem:s18+$0x60] =	vst v0;
	(pc) =	sbr.rel @p1 .LBB2_2-.Ltmp3, $4  }
0x63: {  	[hbm4b:s16+s5] =	stream.linear.scatter [tilespmem:s13], [sflag:$0x1], $0x2000, $0x38;
	[tilespmem:$0x1C700] =	vst v63  }
0x64: {  	_ =	swait.ge [sflag:s11], $0x2000  }
0x65: {  	[sflag:s11] =	ssyncset.done $0x0  }
0x66: {  	[sflag:s11] =	ssyncadd.s32 $0xFFFFE000  }
.Ltmp4:
0x67: {  	(pc) =	sbr.rel @p0 .LBB2_9-.Ltmp4, $1  }
0x68: {  	_ =	sdelay $0x3  }
0x69: {  	[tilespmem:s12], [sflag:$0x1] =	stream.linear.gather [hbm4b:s7+s5], $0x1000, $0x38;
	[tilespmem:$0x1C700] =	vst v63  }
0x6a: {  	_ =	swait.ge [sflag:s11], $0x1000  }
0x6b: {  	[sflag:s11] =	ssyncset.done $0x0  }
0x6c: {  	s16 =	simm.s32 $0x18780;
	[sflag:s11] =	ssyncadd.s32 $0xFFFFF000  }
0x6d: {  	v0 =	vld [tilespmem:s16+$0xFFFFFFF0]  }
0x6e: {  	v1 =	vld [tilespmem:s16+$0xFFFFFF90]  }
0x6f: {  	v2 =	vld [tilespmem:s16+$0xFFFFFFA0]  }
0x70: {  	v3 =	vld [tilespmem:s16+$0xFFFFFFB0]  }
0x71: {  	v4 =	vld [tilespmem:s16+$0xFFFFFFC0]  }
0x72: {  	v5 =	vld [tilespmem:s16+$0xFFFFFFD0]  }
0x73: {  	v6 =	vld [tilespmem:s16+$0xFFFFFFE0]  }
0x74: {  	v7 =	vld [tilespmem:s16+$0x70]  }
0x75: {  	v8 =	vld [tilespmem:s16+$0xFFFFFF80]  }
0x76: {  	v11 =	vld [tilespmem:s16+$0x30]  }
0x77: {  	v12 =	vld [tilespmem:s16+$0x40]  }
0x78: {  	v0 =	vld.idx.msk [tilespmem:v0+s5+$0x0], $0xffff  }
0x79: {  	v2 =	vld.idx.msk [tilespmem:v2+s5+$0x0], $0xffff  }
0x7a: {  	v9 =	vld.idx.msk [tilespmem:v3+s5+$0x0], $0xffff  }
0x7b: {  	v10 =	vld.idx.msk [tilespmem:v4+s5+$0x0], $0xffff  }
0x7c: {  	v5 =	vld.idx.msk [tilespmem:v5+s5+$0x0], $0xffff  }
0x7d: {  	s15 =	simm.s32 $0x1A780;
	v3 =	vld [tilespmem:s16+$0x0]  }
0x7e: {  	[tilespmem:s15+$0xFFFFFFF0] =	vst v0;
	v0 =	vld.idx.msk [tilespmem:v8+s5+$0x0], $0xffff  }
0x7f: {  	v4 =	vld.idx.msk [tilespmem:v7+s5+$0x0], $0xffff  }
0x80: {  	v7 =	vld [tilespmem:s16+$0x10]  }
0x81: {  	v8 =	vld [tilespmem:s16+$0x20]  }
0x82: {  	v1 =	vld.idx.msk [tilespmem:v1+s5+$0x0], $0xffff;
	[tilespmem:s15+$0xFFFFFFA0] =	vst v2  }
0x83: {  	v13 =	vld [tilespmem:s16+$0x50];
	[tilespmem:s15+$0xFFFFFFB0] =	vst v9  }
0x84: {  	v6 =	vld.idx.msk [tilespmem:v6+s5+$0x0], $0xffff;
	[tilespmem:s15+$0xFFFFFFC0] =	vst v10  }
0x85: {  	[tilespmem:s15+$0xFFFFFFD0] =	vst v5;
	v2 =	vld.idx.msk [tilespmem:v11+s5+$0x0], $0xffff  }
0x86: {  	v5 =	vld.idx.msk [tilespmem:v12+s5+$0x0], $0xffff;
	[tilespmem:s15+$0xFFFFFF80] =	vst v0  }
0x87: {  	[tilespmem:s15+$0xFFFFFF90] =	vst v1;
	v3 =	vld.idx.msk [tilespmem:v3+s5+$0x0], $0xffff  }
0x88: {  	[tilespmem:s15+$0x70] =	vst v4;
	v4 =	vld.idx.msk [tilespmem:v7+s5+$0x0], $0xffff  }
0x89: {  	v1 =	vld.idx.msk [tilespmem:v8+s5+$0x0], $0xffff  }
0x8a: {  	v0 =	vld [tilespmem:s16+$0x60]  }
0x8b: {  	s17 =	simm.s32 $0x0;
	s18 =	simm.s32 $0x18880;
	[tilespmem:s15+$0xFFFFFFE0] =	vst v6;
	v6 =	vld.idx.msk [tilespmem:v13+s5+$0x0], $0xffff;
	s16 =	simm.s32 $0x1A780  }
.LBB2_7:
0x8c: {  	v7 =	vld [tilespmem:s18+$0xFFFFFFF0];
	s17 =	sadd.s32 $0x80, s17;
	[tilespmem:s15+$0x0] =	vst v3  }
0x8d: {  	v3 =	vld [tilespmem:s18+$0xFFFFFF90];
	p1 =	slt.u32 s17, $0x780;
	[tilespmem:s15+$0x10] =	vst v4  }
0x8e: {  	v4 =	vld [tilespmem:s18+$0xFFFFFFA0];
	[tilespmem:s15+$0x20] =	vst v1  }
0x8f: {  	v1 =	vld [tilespmem:s18+$0xFFFFFFB0];
	[tilespmem:s15+$0x30] =	vst v2  }
0x90: {  	v2 =	vld [tilespmem:s18+$0xFFFFFFC0];
	[tilespmem:s15+$0x40] =	vst v5  }
0x91: {  	v5 =	vld [tilespmem:s18+$0xFFFFFFD0];
	[tilespmem:s15+$0x50] =	vst v6  }
0x92: {  	v6 =	vld [tilespmem:s18+$0xFFFFFFE0]  }
0x93: {  	v8 =	vld [tilespmem:s18+$0x70]  }
0x94: {  	v7 =	vld.idx.msk [tilespmem:v7+s5+$0x0], $0xffff  }
0x95: {  	v9 =	vld [tilespmem:s18+$0xFFFFFF80]  }
0x96: {  	v3 =	vld.idx.msk [tilespmem:v3+s5+$0x0], $0xffff  }
0x97: {  	v4 =	vld.idx.msk [tilespmem:v4+s5+$0x0], $0xffff  }
0x98: {  	v1 =	vld.idx.msk [tilespmem:v1+s5+$0x0], $0xffff  }
0x99: {  	s15 =	sadd.s32 $0x100, s15;
	v2 =	vld.idx.msk [tilespmem:v2+s5+$0x0], $0xffff  }
0x9a: {  	v5 =	vld.idx.msk [tilespmem:v5+s5+$0x0], $0xffff;
	[tilespmem:s15+$0xFFFFFFF0] =	vst v7  }
0x9b: {  	v7 =	vld.idx.msk [tilespmem:v8+s5+$0x0], $0xffff  }
0x9c: {  	v6 =	vld.idx.msk [tilespmem:v6+s5+$0x0], $0xffff  }
0x9d: {  	v8 =	vld.idx.msk [tilespmem:v9+s5+$0x0], $0xffff  }
0x9e: {  	v9 =	vld [tilespmem:s18+$0x0]  }
0x9f: {  	v10 =	vld [tilespmem:s18+$0x10];
	[tilespmem:s15+$0xFFFFFF90] =	vst v3  }
0xa0: {  	v11 =	vld [tilespmem:s18+$0x20];
	[tilespmem:s15+$0xFFFFFFA0] =	vst v4  }
0xa1: {  	v12 =	vld [tilespmem:s18+$0x30];
	[tilespmem:s15+$0x70] =	vst v7  }
0xa2: {  	[tilespmem:s15+$0xFFFFFFB0] =	vst v1;
	v7 =	vld [tilespmem:s18+$0x40]  }
0xa3: {  	[tilespmem:s15+$0xFFFFFF80] =	vst v8;
	v8 =	vld [tilespmem:s18+$0x50]  }
0xa4: {  	[tilespmem:s15+$0xFFFFFFC0] =	vst v2;
	v13 =	vld [tilespmem:s18+$0x60]  }
0xa5: {  	[tilespmem:s15+$0xFFFFFFD0] =	vst v5;
	v14 =	vld.idx.msk [tilespmem:v0+s5+$0x0], $0xffff  }
0xa6: {  	v3 =	vld.idx.msk [tilespmem:v9+s5+$0x0], $0xffff;
	[tilespmem:s15+$0xFFFFFFE0] =	vst v6  }
.Ltmp5:
0xa7: {  	v4 =	vld.idx.msk [tilespmem:v10+s5+$0x0], $0xffff;
	(pc) =	sbr.rel @p1 .LBB2_7-.Ltmp5, $4  }
0xa8: {  	v1 =	vld.idx.msk [tilespmem:v11+s5+$0x0], $0xffff  }
0xa9: {  	v2 =	vld.idx.msk [tilespmem:v12+s5+$0x0], $0xffff;
	v0 =	vmov v13  }
0xaa: {  	v5 =	vld.idx.msk [tilespmem:v7+s5+$0x0], $0xffff  }
0xab: {  	s18 =	sadd.s32 $0x100, s18;
	v6 =	vld.idx.msk [tilespmem:v8+s5+$0x0], $0xffff;
	[tilespmem:s16+$0x60] =	vst v14;
	s16 =	smov.u32 s15  }
0xac: {  	_ =	sdelay $0x2  }
0xad: {  	[tilespmem:s15+$0x0] =	vst v3  }
0xae: {  	[tilespmem:s15+$0x10] =	vst v4;
	v0 =	vld.idx.msk [tilespmem:v0+s5+$0x0], $0xffff  }
0xaf: {  	[tilespmem:s15+$0x20] =	vst v1  }
0xb0: {  	[tilespmem:s15+$0x30] =	vst v2  }
0xb1: {  	[tilespmem:s15+$0x40] =	vst v5  }
0xb2: {  	[tilespmem:s15+$0x50] =	vst v6  }
.Ltmp6:
0xb3: {  	[tilespmem:s16+$0x60] =	vst v0;
	(pc) =	sbr.rel .LBB2_9-.Ltmp6, $4  }
0xb4: {  	[hbm4b:s8+s5] =	stream.linear.scatter [tilespmem:s13], [sflag:$0x1], $0x1000, $0x38;
	[tilespmem:$0x1C700] =	vst v63  }
0xb5: {  	_ =	swait.ge [sflag:s11], $0x1000  }
0xb6: {  	[sflag:s11] =	ssyncset.done $0x0  }
0xb7: {  	[sflag:s11] =	ssyncadd.s32 $0xFFFFF000  }
.LBB2_10:
0xb8: {  	_ =	sfence.sel $0x180000  }
0xb9: {  	[bflag:$0x0] =	sbarrier.arrive $0xFFFF  }
0xba: {  	p0 =	sne.s32 s3, $0x0;
	_ =	strace $0x90000047  }
0xbb: {  	s0 =	sadd.s32 @!p0 $0x100000, s0;
	[bflag:$0x2] =	sbarrier.arrive $0xFFFF  }
0xbc: {  	[sflag:s0] =	ssyncadd.tile.s32 @!p0 $0x1;
	_ =	shalt  }
.Lfunc_end2:
_tile_overlayer_lowered:
.L_overlay_start_2:
0xbd: {  	(tag) =	ssettag $0x2  }
0xbe: {  	s0 =	rddreg [dreg:$0x0];
	s2 =	stileid.u32  }
0xbf: {  	s1 =	rddreg [dreg:$0x1];
	p0 =	sne.s32 s2, $0x0  }
0xc0: {  	s3 =	rddreg [dreg:$0x2];
	[bflag:$0x3] =	sbarrier.arrive $0xFFFF;
	s2 =	simm.s32 @!p0 $0x1C01  }
0xc1: {  	[timem:s3], [sflag:s2] =	dma.local @!p0 [hbm:s0], s1  }
0xc2: {  	s0 =	simm.s32 @!p0 $0x1  }
0xc3: {  	_ =	swait.ge @!p0 [sflag:s0], s1  }
0xc4: {  	s1 =	ssub.s32 @!p0 $0x0, s1;
	[sflag:s0] =	ssyncset.done @!p0 $0x0  }
0xc5: {  	[sflag:s0] =	ssyncadd.s32 @!p0 s1  }
0xc6: {  	[bflag:$0x3] =	sbarrier.arrive $0xFFFF  }
0xc7: {  	_ =	shalt  }

</sc_bundles>
